<compile_context>
chip_gen: v7x
topology: tpu7x:2x2x1
jax: 0.10.2.dev20260603
libtpu: 0.0.44.dev20260713+nightly
codegen_flags: <defaults>
</compile_context>

<pallas_src>
import jax
import jax.numpy as jnp
from jax import lax
from jax.experimental import pallas as pl
from jax.experimental.pallas import tpu as pltpu
from jax.experimental.pallas import tpu_sc as plsc

E = 128
B_SEG = 1024
N_NODES = 100000
NC, NS, L = 2, 16, 16
SEG_PER_SC = B_SEG // NC
SEG_PER_TILE = SEG_PER_SC // NS
CHUNK = 3200
CPAD = CHUNK + 16
BINS = SEG_PER_SC * E
DUMMY = BINS
HIST_PAD = BINS + 128
STRIPE = SEG_PER_TILE * E
SAMPLE_STRIDE = 128
SAMPLES = 784


def _sc_hist_body(z_hbm, batch_hbm, out_hbm, zb_v, bb_v, keys_v, ones_v,
                  zero_v, samp_v, samp_s, flush_v, hist_sh, sem):
    cid = lax.axis_index("c")
    sid = lax.axis_index("s")
    seg0_sc = cid * SEG_PER_SC
    seg0 = seg0_sc + sid * SEG_PER_TILE

    def _ones(i, _):
        ones_v[pl.ds(pl.multiple_of(i * L, L), L)] = (
            jnp.full((L,), 1, jnp.int32))
        return 0
    lax.fori_loop(0, CPAD // L, _ones, 0)

    def _zero(i, _):
        zero_v[pl.ds(pl.multiple_of(i * L, L), L)] = (
            jnp.zeros((L,), jnp.int32))
        return 0
    lax.fori_loop(0, STRIPE // L, _zero, 0)
    pltpu.sync_copy(zero_v,
                    hist_sh.at[pl.ds(pl.multiple_of(sid * STRIPE, 8), STRIPE)])

    iota = lax.broadcasted_iota(jnp.int32, (L,), 0)
    tgt = jnp.where(iota < 1, seg0, seg0 + SEG_PER_TILE)

    def _bstep(_, st):
        lo_v, hi_v = st
        mid = jnp.right_shift(lo_v + hi_v, 1)
        pltpu.async_copy(batch_hbm.at[jnp.minimum(mid, N_NODES - 1)],
                         samp_v, sem).wait()
        v = samp_v[pl.ds(0, L)]
        c = jnp.where(lo_v < hi_v, jnp.where(v < tgt, 1, 2), 0)
        return (jnp.where(c == 1, mid + 1, lo_v),
                jnp.where(c == 2, mid, hi_v))

    zv = jnp.zeros((L,), jnp.int32)
    lo_v, _ = lax.fori_loop(0, 17, _bstep, (zv, zv + N_NODES))
    samp_v[pl.ds(0, L)] = lo_v
    pslot = pl.multiple_of(HIST_PAD + sid * L, 8)
    pltpu.sync_copy(samp_v, hist_sh.at[pl.ds(pslot, L)])
    pltpu.sync_copy(hist_sh.at[pl.ds(pslot, L)], samp_s)
    beg = samp_s[0]
    end = samp_s[1]

    plsc.subcore_barrier()

    key_base = seg0_sc * E

    def _chunk(k, _):
        lo = beg + k * CHUNK
        hi = jnp.minimum(lo + CHUNK, end)
        a0 = pl.multiple_of(jnp.minimum(lo & ~7, N_NODES - CPAD), 8)
        cz = pltpu.async_copy(z_hbm.at[pl.ds(a0, CPAD)], zb_v, sem)
        cb = pltpu.async_copy(batch_hbm.at[pl.ds(a0, CPAD)], bb_v, sem)
        cz.wait()
        cb.wait()

        def _keys(i, _):
            off = pl.multiple_of(i * L, L)
            bb = bb_v[pl.ds(off, L)]
            zz = zb_v[pl.ds(off, L)]
            gi = a0 + off + iota
            valid = ((gi >= lo) & (gi < hi)
                     & (bb >= seg0) & (bb < seg0 + SEG_PER_TILE))
            key = jnp.where(valid, bb * E + zz - key_base, DUMMY)
            keys_v[pl.ds(off, L)] = key
            return 0
        lax.fori_loop(0, CPAD // L, _keys, 0)

        pltpu.sync_copy(ones_v, hist_sh.at[keys_v], add=True)
        return 0

    nchunks = (end - beg + CHUNK - 1) // CHUNK
    lax.fori_loop(0, nchunks, _chunk, 0)

    flush_v[pl.ds(0, L)] = jnp.full((L,), DUMMY, jnp.int32)
    pltpu.sync_copy(ones_v.at[pl.ds(0, L)], hist_sh.at[flush_v])
    plsc.subcore_barrier()

    pltpu.sync_copy(hist_sh.at[pl.ds(pl.multiple_of(sid * STRIPE, 8), STRIPE)],
                    out_hbm.at[pl.ds(pl.multiple_of(seg0 * E, 8), STRIPE)])
    pltpu.sync_copy(out_hbm.at[pl.ds(pl.multiple_of(seg0 * E, 8), STRIPE)],
                    zero_v)


_sc_hist = pl.kernel(
    _sc_hist_body,
    out_type=jax.ShapeDtypeStruct((B_SEG * E,), jnp.int32),
    mesh=plsc.VectorSubcoreMesh(core_axis_name="c", subcore_axis_name="s",
                                num_cores=NC, num_subcores=NS),
    scratch_types=[
        pltpu.VMEM((CPAD,), jnp.int32),
        pltpu.VMEM((CPAD,), jnp.int32),
        pltpu.VMEM((CPAD,), jnp.int32),
        pltpu.VMEM((CPAD,), jnp.int32),
        pltpu.VMEM((STRIPE,), jnp.int32),
        pltpu.VMEM((L,), jnp.int32),
        pltpu.SMEM((L,), jnp.int32),
        pltpu.VMEM((L,), jnp.int32),
        pltpu.VMEM_SHARED((HIST_PAD + NS * L,), jnp.int32),
        pltpu.SemaphoreType.DMA,
    ],
)


def _mlp_body(h_ref, w1_ref, b1_ref, w2_ref, b2_ref, o_ref):
    h = h_ref[...].reshape(B_SEG, E).astype(jnp.float32)
    counts = jnp.sum(h, axis=1, keepdims=True)
    x = h / jnp.maximum(counts, 1.0)
    a = jnp.dot(x, w1_ref[...], preferred_element_type=jnp.float32)
    a = jnp.maximum(a + b1_ref[...][None, :], 0.0)
    o_ref[...] = (jnp.dot(a, w2_ref[...], preferred_element_type=jnp.float32)
                  + b2_ref[...][None, :])


_mlp = pl.pallas_call(
    _mlp_body,
    out_shape=jax.ShapeDtypeStruct((B_SEG, 1), jnp.float32),
)


def kernel(z, dummy1, batch, dummy2, dummy3, dummy4, W1, b1, W2, b2):
    hist = _sc_hist(z.astype(jnp.int32), batch.astype(jnp.int32))
    fence = jnp.where(jnp.min(hist) < -N_NODES, 1.0, 0.0)
    return _mlp(hist, W1, b1, W2, b2 + fence)

# --- scband reference (transcript-rebuilt; emitter-appended) ---
"""Pipeline reference for scband-sealmlp-53420803228458 (READ-ONLY COPY).

The authoritative reference and input builder live on the scoring server;
editing this copy changes nothing except your own understanding.
"""

import jax, jax.numpy as jnp
import numpy as np

EMB_DIM = 128  # get_max_label(node_label, max_dist) + 1, assumed 128
N = 100000     # total nodes across all subgraphs in batch
B = 1024       # number of subgraphs (link-prediction examples)

def setup_inputs(seed: int = 0) -> dict:
    key = jax.random.key(seed)
    k1, k2, k3, k4, k5, k6 = jax.random.split(key, 6)
    z = jax.random.randint(k1, (N,), 0, EMB_DIM)
    batch = jnp.sort(jax.random.randint(k2, (N,), 0, B))
    dummy1 = jnp.zeros((1,), dtype=jnp.float32)
    dummy2 = jnp.zeros((1,), dtype=jnp.float32)
    dummy3 = jnp.zeros((1,), dtype=jnp.float32)
    dummy4 = jnp.zeros((1,), dtype=jnp.float32)
    lim1 = 1.0 / np.sqrt(EMB_DIM)
    W1 = jax.random.uniform(k3, (EMB_DIM, EMB_DIM), minval=-lim1, maxval=lim1)
    b1 = jax.random.uniform(k4, (EMB_DIM,), minval=-lim1, maxval=lim1)
    W2 = jax.random.uniform(k5, (EMB_DIM, 1), minval=-lim1, maxval=lim1)
    b2 = jax.random.uniform(k6, (1,), minval=-lim1, maxval=lim1)
    return {"z": z, "dummy1": dummy1, "batch": batch, "dummy2": dummy2,
            "dummy3": dummy3, "dummy4": dummy4,
            "W1": W1, "b1": b1, "W2": W2, "b2": b2}

def reference(z, dummy1, batch, dummy2, dummy3, dummy4, W1, b1, W2, b2):
    # x = one_hot(z, emb_dim)
    x = jax.nn.one_hot(z, EMB_DIM, dtype=jnp.float32)
    # global_mean_pool(x, batch)
    sums = jax.ops.segment_sum(x, batch, num_segments=B)
    counts = jax.ops.segment_sum(jnp.ones((z.shape[0],), dtype=jnp.float32), batch, num_segments=B)
    x = sums / jnp.clip(counts, 1.0, None)[:, None]
    # lin1 + relu (dropout is identity in eval mode)
    x = jax.nn.relu(x @ W1 + b1)
    # lin2
    x = x @ W2 + b2
    return x

if __name__ == "__main__":
    import jax
    _d = setup_inputs()
    print(jax.jit(kernel)(*tuple(_d.values())))

</pallas_src>

<mosaic_0001>
#map = affine_map<(d0, d1) -> (0)>
module attributes {stable_mosaic.version = 14 : i64} {
  func.func @_sc_hist_body(%arg0: i32, %arg1: i32, %arg2: memref<100000xi32, #tpu.memory_space<hbm>>, %arg3: memref<100000xi32, #tpu.memory_space<hbm>>, %arg4: memref<131072xi32, #tpu.memory_space<hbm>>, %arg5: memref<3216xi32, #tpu.memory_space<vmem>>, %arg6: memref<3216xi32, #tpu.memory_space<vmem>>, %arg7: memref<3216xi32, #tpu.memory_space<vmem>>, %arg8: memref<3216xi32, #tpu.memory_space<vmem>>, %arg9: memref<4096xi32, #tpu.memory_space<vmem>>, %arg10: memref<16xi32, #tpu.memory_space<vmem>>, %arg11: memref<16xi32, #tpu.memory_space<smem>>, %arg12: memref<16xi32, #tpu.memory_space<vmem>>, %arg13: memref<65920xi32, #tpu.memory_space<vmem_shared>>, %arg14: memref<!tpu.dma_semaphore, #tpu.memory_space<semaphore_mem>>) attributes {dimension_semantics = [#tpu.dimension_semantics<core_parallel>, #tpu.dimension_semantics<subcore_parallel>], iteration_bounds = array<i64: 2, 16>, scalar_prefetch = 0 : i64, scratch_operands = 10 : i64, tpu.core_type = #tpu.core_type<sc_vector_subcore>, window_params = [{transform_indices = #map}, {transform_indices = #map}, {transform_indices = #map}]} {
    %mul3A = arith.constant 512 : i32
    %mul3A_0 = arith.muli %arg0, %mul3A : i32
    %mul3A_1 = arith.constant 32 : i32
    %mul3A_2 = arith.muli %arg1, %mul3A_1 : i32
    %add3A = arith.addi %mul3A_0, %mul3A_2 : i32
    %scan3A = arith.constant 0 : i32
    %scan3A_3 = arith.constant 0 : i32
    %scan3A_4 = arith.constant 201 : i32
    %scan3A_5 = arith.addi %scan3A_3, %scan3A_4 : i32
    %scan3A_6 = arith.constant 1 : i32
    %scan3A_7 = scf.for %scan3A_98 = %scan3A_3 to %scan3A_5 step %scan3A_6 iter_args(%scan3A_99 = %scan3A) -> (i32)  : i32 {
      %broadcast_in_dim3A_100 = arith.constant 1 : i32
      %broadcast_in_dim3A_101 = vector.broadcast %broadcast_in_dim3A_100 : i32 to vector<16xi32>
      %mul3A_102 = arith.constant 16 : i32
      %mul3A_103 = arith.muli %scan3A_98, %mul3A_102 : i32
      %multiple_of3A_104 = tpu.assume_multiple %mul3A_103, 16 : i32
      %swap3A_105 = arith.index_cast %multiple_of3A_104 : i32 to index
      %swap3A_106 = tpu.vector_load %arg8[%swap3A_105] {strides = array<i32>} : memref<3216xi32, #tpu.memory_space<vmem>>, vector<16xi32>,
      %swap3A_107 = vector.shape_cast %swap3A_106 : vector<16xi32> to vector<16xi32>
      %swap3A_108 = vector.shape_cast %broadcast_in_dim3A_101 : vector<16xi32> to vector<16xi32>
      tpu.vector_store %arg8[%swap3A_105], %swap3A_108 {strides = array<i32>} : memref<3216xi32, #tpu.memory_space<vmem>>, vector<16xi32>,
      %scan3A_109 = arith.constant 0 : i32
      scf.yield %scan3A_109 : i32
    }
    %scan3A_8 = arith.constant 201 : i32
    %scan3A_9 = arith.constant 0 : i32
    %scan3A_10 = arith.constant 0 : i32
    %scan3A_11 = arith.constant 256 : i32
    %scan3A_12 = arith.addi %scan3A_10, %scan3A_11 : i32
    %scan3A_13 = arith.constant 1 : i32
    %scan3A_14 = scf.for %scan3A_98 = %scan3A_10 to %scan3A_12 step %scan3A_13 iter_args(%scan3A_99 = %scan3A_9) -> (i32)  : i32 {
      %broadcast_in_dim3A_100 = arith.constant 0 : i32
      %broadcast_in_dim3A_101 = vector.broadcast %broadcast_in_dim3A_100 : i32 to vector<16xi32>
      %mul3A_102 = arith.constant 16 : i32
      %mul3A_103 = arith.muli %scan3A_98, %mul3A_102 : i32
      %multiple_of3A_104 = tpu.assume_multiple %mul3A_103, 16 : i32
      %swap3A_105 = arith.index_cast %multiple_of3A_104 : i32 to index
      %swap3A_106 = tpu.vector_load %arg9[%swap3A_105] {strides = array<i32>} : memref<4096xi32, #tpu.memory_space<vmem>>, vector<16xi32>,
      %swap3A_107 = vector.shape_cast %swap3A_106 : vector<16xi32> to vector<16xi32>
      %swap3A_108 = vector.shape_cast %broadcast_in_dim3A_101 : vector<16xi32> to vector<16xi32>
      tpu.vector_store %arg9[%swap3A_105], %swap3A_108 {strides = array<i32>} : memref<4096xi32, #tpu.memory_space<vmem>>, vector<16xi32>,
      %scan3A_109 = arith.constant 0 : i32
      scf.yield %scan3A_109 : i32
    }
    %scan3A_15 = arith.constant 256 : i32
    %mul3A_16 = arith.constant 4096 : i32
    %mul3A_17 = arith.muli %arg1, %mul3A_16 : i32
    %multiple_of3A = tpu.assume_multiple %mul3A_17, 8 : i32
    "tpu.region"() ({
      %run_scoped3A = tpu.sem_alloc : memref<!tpu.dma_semaphore, #tpu.memory_space<semaphore_mem>>
      %dma_start3A = tpu.memref_slice %arg13[%multiple_of3A] : memref<65920xi32, #tpu.memory_space<vmem_shared>> -> memref<4096xi32, #tpu.memory_space<vmem_shared>>
      %dma_start3A_98 = tpu.memref_slice %arg13[%multiple_of3A] : memref<65920xi32, #tpu.memory_space<vmem_shared>> -> memref<4096xi32, #tpu.memory_space<vmem_shared>>
      tpu.enqueue_dma source(%arg9 : memref<4096xi32, #tpu.memory_space<vmem>>) target(%dma_start3A_98 : memref<4096xi32, #tpu.memory_space<vmem_shared>>) target_semaphore(%run_scoped3A : memref<!tpu.dma_semaphore, #tpu.memory_space<semaphore_mem>>)
      %dma_wait3A = tpu.memref_slice %arg13[%multiple_of3A] : memref<65920xi32, #tpu.memory_space<vmem_shared>> -> memref<4096xi32, #tpu.memory_space<vmem_shared>>
      %dma_wait3A_99 = tpu.memref_slice %arg13[%multiple_of3A] : memref<65920xi32, #tpu.memory_space<vmem_shared>> -> memref<4096xi32, #tpu.memory_space<vmem_shared>>
      tpu.wait_dma2 semaphore(%run_scoped3A : memref<!tpu.dma_semaphore, #tpu.memory_space<semaphore_mem>>) src(%arg9 : memref<4096xi32, #tpu.memory_space<vmem>>) dst(%dma_wait3A_99 : memref<4096xi32, #tpu.memory_space<vmem_shared>>)
      tpu.yield
    }) : () -> ()
    %iota3A = tpu.iota {dimensions = array<i32: 0>} : vector<16xi32>
    %lt3A = arith.constant 1 : i32
    %lt3A_18 = vector.broadcast %lt3A : i32 to vector<16xi32>
    %lt3A_19 = arith.cmpi slt, %iota3A, %lt3A_18 : vector<16xi32>
    %add3A_20 = arith.constant 32 : i32
    %add3A_21 = arith.addi %add3A, %add3A_20 : i32
    %broadcast_in_dim3A = vector.broadcast %add3A : i32 to vector<16xi32>
    %broadcast_in_dim3A_22 = vector.broadcast %add3A_21 : i32 to vector<16xi32>
    %select_n3A = arith.select %lt3A_19, %broadcast_in_dim3A, %broadcast_in_dim3A_22 : vector<16xi1>, vector<16xi32>
    %broadcast_in_dim3A_23 = arith.constant 0 : i32
    %broadcast_in_dim3A_24 = vector.broadcast %broadcast_in_dim3A_23 : i32 to vector<16xi32>
    %add3A_25 = arith.constant 100000 : i32
    %add3A_26 = vector.broadcast %add3A_25 : i32 to vector<16xi32>
    %add3A_27 = arith.addi %broadcast_in_dim3A_24, %add3A_26 : vector<16xi32>
    %scan3A_28 = arith.constant 0 : i32
    %scan3A_29 = arith.constant 17 : i32
    %scan3A_30 = arith.addi %scan3A_28, %scan3A_29 : i32
    %scan3A_31 = arith.constant 1 : i32
    %scan3A_32:2 = scf.for %scan3A_98 = %scan3A_28 to %scan3A_30 step %scan3A_31 iter_args(%scan3A_99 = %broadcast_in_dim3A_24, %scan3A_100 = %add3A_27) -> (vector<16xi32>, vector<16xi32>)  : i32 {
      %add3A_101 = arith.addi %scan3A_99, %scan3A_100 : vector<16xi32>
      %shift_right_arithmetic3A = arith.constant 1 : i32
      %shift_right_arithmetic3A_102 = vector.broadcast %shift_right_arithmetic3A : i32 to vector<16xi32>
      %shift_right_arithmetic3A_103 = arith.shrsi %add3A_101, %shift_right_arithmetic3A_102 : vector<16xi32>
      %min3A = arith.constant 99999 : i32
      %min3A_104 = vector.broadcast %min3A : i32 to vector<16xi32>
      %min3A_105 = arith.minsi %shift_right_arithmetic3A_103, %min3A_104 : vector<16xi32>
      %dma_start3A = arith.constant 0 : i32
      %dma_start3A_106 = tpu.memref_slice %arg3[%dma_start3A] : memref<100000xi32, #tpu.memory_space<hbm>> -> memref<100000xi32, #tpu.memory_space<hbm>>
      tpu.enqueue_indirect_dma source(%dma_start3A_106 : memref<100000xi32, #tpu.memory_space<hbm>>) target(%arg10 : memref<16xi32, #tpu.memory_space<vmem>>) offsets(%min3A_105 : vector<16xi32>) semaphore(%arg14 : memref<!tpu.dma_semaphore, #tpu.memory_space<semaphore_mem>>)
      %dma_wait3A = arith.constant 0 : i32
      %dma_wait3A_107 = tpu.memref_slice %arg3[%dma_wait3A] : memref<100000xi32, #tpu.memory_space<hbm>> -> memref<100000xi32, #tpu.memory_space<hbm>>
      tpu.wait_indirect_dma semaphore(%arg14 : memref<!tpu.dma_semaphore, #tpu.memory_space<semaphore_mem>>) src(%dma_wait3A_107 : memref<100000xi32, #tpu.memory_space<hbm>>) dst(%arg10 : memref<16xi32, #tpu.memory_space<vmem>>)
      %get3A_108 = arith.constant 0 : index
      %get3A_109 = tpu.vector_load %arg10[%get3A_108] {strides = array<i32>} : memref<16xi32, #tpu.memory_space<vmem>>, vector<16xi32>,
      %get3A_110 = vector.shape_cast %get3A_109 : vector<16xi32> to vector<16xi32>
      %lt3A_111 = arith.cmpi slt, %scan3A_99, %scan3A_100 : vector<16xi32>
      %lt3A_112 = arith.cmpi slt, %get3A_110, %select_n3A : vector<16xi32>
      %jit3A_113 = arith.constant 1 : i32
      %jit3A_114 = arith.constant 2 : i32
      %broadcast_in_dim3A_115 = vector.broadcast %jit3A_113 : i32 to vector<16xi32>
      %broadcast_in_dim3A_116 = vector.broadcast %jit3A_114 : i32 to vector<16xi32>
      %select_n3A_117 = arith.select %lt3A_112, %broadcast_in_dim3A_115, %broadcast_in_dim3A_116 : vector<16xi1>, vector<16xi32>
      %jit3A_118 = arith.constant 0 : i32
      %broadcast_in_dim3A_119 = vector.broadcast %jit3A_118 : i32 to vector<16xi32>
      %select_n3A_120 = arith.select %lt3A_111, %select_n3A_117, %broadcast_in_dim3A_119 : vector<16xi1>, vector<16xi32>
      %eq3A = arith.constant 1 : i32
      %eq3A_121 = vector.broadcast %eq3A : i32 to vector<16xi32>
      %eq3A_122 = arith.cmpi eq, %select_n3A_120, %eq3A_121 : vector<16xi32>
      %add3A_123 = arith.constant 1 : i32
      %add3A_124 = vector.broadcast %add3A_123 : i32 to vector<16xi32>
      %add3A_125 = arith.addi %shift_right_arithmetic3A_103, %add3A_124 : vector<16xi32>
      %select_n3A_126 = arith.select %eq3A_122, %add3A_125, %scan3A_99 : vector<16xi1>, vector<16xi32>
      %eq3A_127 = arith.constant 2 : i32
      %eq3A_128 = vector.broadcast %eq3A_127 : i32 to vector<16xi32>
      %eq3A_129 = arith.cmpi eq, %select_n3A_120, %eq3A_128 : vector<16xi32>
      %select_n3A_130 = arith.select %eq3A_129, %shift_right_arithmetic3A_103, %scan3A_100 : vector<16xi1>, vector<16xi32>
      scf.yield %select_n3A_126, %select_n3A_130 : vector<16xi32>, vector<16xi32>
    }
    %scan3A_33 = arith.constant 17 : i32
    %swap3A = arith.constant 0 : index
    %swap3A_34 = tpu.vector_load %arg10[%swap3A] {strides = array<i32>} : memref<16xi32, #tpu.memory_space<vmem>>, vector<16xi32>,
    %swap3A_35 = vector.shape_cast %swap3A_34 : vector<16xi32> to vector<16xi32>
    %swap3A_36 = vector.shape_cast %scan3A_32#0 : vector<16xi32> to vector<16xi32>
    tpu.vector_store %arg10[%swap3A], %swap3A_36 {strides = array<i32>} : memref<16xi32, #tpu.memory_space<vmem>>, vector<16xi32>,
    %mul3A_37 = arith.constant 16 : i32
    %mul3A_38 = arith.muli %arg1, %mul3A_37 : i32
    %add3A_39 = arith.constant 65664 : i32
    %add3A_40 = arith.addi %add3A_39, %mul3A_38 : i32
    %multiple_of3A_41 = tpu.assume_multiple %add3A_40, 8 : i32
    "tpu.region"() ({
      %run_scoped3A = tpu.sem_alloc : memref<!tpu.dma_semaphore, #tpu.memory_space<semaphore_mem>>
      %dma_start3A = tpu.memref_slice %arg13[%multiple_of3A_41] : memref<65920xi32, #tpu.memory_space<vmem_shared>> -> memref<16xi32, #tpu.memory_space<vmem_shared>>
      %dma_start3A_98 = tpu.memref_slice %arg13[%multiple_of3A_41] : memref<65920xi32, #tpu.memory_space<vmem_shared>> -> memref<16xi32, #tpu.memory_space<vmem_shared>>
      tpu.enqueue_dma source(%arg10 : memref<16xi32, #tpu.memory_space<vmem>>) target(%dma_start3A_98 : memref<16xi32, #tpu.memory_space<vmem_shared>>) target_semaphore(%run_scoped3A : memref<!tpu.dma_semaphore, #tpu.memory_space<semaphore_mem>>)
      %dma_wait3A = tpu.memref_slice %arg13[%multiple_of3A_41] : memref<65920xi32, #tpu.memory_space<vmem_shared>> -> memref<16xi32, #tpu.memory_space<vmem_shared>>
      %dma_wait3A_99 = tpu.memref_slice %arg13[%multiple_of3A_41] : memref<65920xi32, #tpu.memory_space<vmem_shared>> -> memref<16xi32, #tpu.memory_space<vmem_shared>>
      tpu.wait_dma2 semaphore(%run_scoped3A : memref<!tpu.dma_semaphore, #tpu.memory_space<semaphore_mem>>) src(%arg10 : memref<16xi32, #tpu.memory_space<vmem>>) dst(%dma_wait3A_99 : memref<16xi32, #tpu.memory_space<vmem_shared>>)
      tpu.yield
    }) : () -> ()
    "tpu.region"() ({
      %run_scoped3A = tpu.sem_alloc : memref<!tpu.dma_semaphore, #tpu.memory_space<semaphore_mem>>
      %dma_start3A = tpu.memref_slice %arg13[%multiple_of3A_41] : memref<65920xi32, #tpu.memory_space<vmem_shared>> -> memref<16xi32, #tpu.memory_space<vmem_shared>>
      tpu.enqueue_dma source(%dma_start3A : memref<16xi32, #tpu.memory_space<vmem_shared>>) target(%arg11 : memref<16xi32, #tpu.memory_space<smem>>) target_semaphore(%run_scoped3A : memref<!tpu.dma_semaphore, #tpu.memory_space<semaphore_mem>>)
      %dma_wait3A = tpu.memref_slice %arg13[%multiple_of3A_41] : memref<65920xi32, #tpu.memory_space<vmem_shared>> -> memref<16xi32, #tpu.memory_space<vmem_shared>>
      tpu.wait_dma2 semaphore(%run_scoped3A : memref<!tpu.dma_semaphore, #tpu.memory_space<semaphore_mem>>) src(%dma_wait3A : memref<16xi32, #tpu.memory_space<vmem_shared>>) dst(%arg11 : memref<16xi32, #tpu.memory_space<smem>>)
      tpu.yield
    }) : () -> ()
    %get3A = arith.constant 0 : i32
    %get3A_42 = arith.index_cast %get3A : i32 to index
    %get3A_43 = memref.load %arg11[%get3A_42] : memref<16xi32, #tpu.memory_space<smem>>
    %get3A_44 = arith.constant 1 : i32
    %get3A_45 = arith.index_cast %get3A_44 : i32 to index
    %get3A_46 = memref.load %arg11[%get3A_45] : memref<16xi32, #tpu.memory_space<smem>>
    %barrier3A = arith.constant 0 : index
    tpu.barrier barrier_id(%barrier3A)
    %mul3A_47 = arith.constant 128 : i32
    %mul3A_48 = arith.muli %mul3A_0, %mul3A_47 : i32
    %sub3A = arith.subi %get3A_46, %get3A_43 : i32
    %add3A_49 = arith.constant 3200 : i32
    %add3A_50 = arith.addi %sub3A, %add3A_49 : i32
    %sub3A_51 = arith.constant 1 : i32
    %sub3A_52 = arith.subi %add3A_50, %sub3A_51 : i32
    %jit3A = arith.constant 3200 : i32
    %div3A = arith.divsi %sub3A_52, %jit3A : i32
    %sign3A = arith.constant 0 : i32
    %sign3A_53 = arith.cmpi sgt, %sub3A_52, %sign3A : i32
    %sign3A_54 = arith.extui %sign3A_53 : i1 to i32
    %sign3A_55 = arith.constant 0 : i32
    %sign3A_56 = arith.cmpi slt, %sub3A_52, %sign3A_55 : i32
    %sign3A_57 = arith.extui %sign3A_56 : i1 to i32
    %sign3A_58 = arith.subi %sign3A_54, %sign3A_57 : i32
    %sign3A_59 = arith.constant 0 : i32
    %sign3A_60 = arith.cmpi sgt, %jit3A, %sign3A_59 : i32
    %sign3A_61 = arith.extui %sign3A_60 : i1 to i32
    %sign3A_62 = arith.constant 0 : i32
    %sign3A_63 = arith.cmpi slt, %jit3A, %sign3A_62 : i32
    %sign3A_64 = arith.extui %sign3A_63 : i1 to i32
    %sign3A_65 = arith.subi %sign3A_61, %sign3A_64 : i32
    %ne3A = arith.cmpi ne, %sign3A_58, %sign3A_65 : i32
    %rem3A = arith.remsi %sub3A_52, %jit3A : i32
    %ne3A_66 = arith.constant 0 : i32
    %ne3A_67 = arith.cmpi ne, %rem3A, %ne3A_66 : i32
    %and3A = arith.andi %ne3A, %ne3A_67 : i1
    %sub3A_68 = arith.constant 1 : i32
    %sub3A_69 = arith.subi %div3A, %sub3A_68 : i32
    %select_n3A_70 = arith.select %and3A, %sub3A_69, %div3A : i32
    %while3A = arith.constant 0 : i32
    %while3A_71 = arith.constant 0 : i32
    %while3A_72 = arith.subi %select_n3A_70, %while3A : i32
    %while3A_73 = arith.addi %while3A, %while3A_72 : i32
    %while3A_74 = arith.constant 1 : i32
    %while3A_75 = arith.divsi %while3A_72, %while3A_74 : i32
    %while3A_76 = arith.muli %while3A_75, %while3A_74 : i32
    %while3A_77 = arith.addi %while3A, %while3A_76 : i32
    %while3A_78 = arith.constant 1 : i32
    %while3A_79 = scf.for %while3A_98 = %while3A to %while3A_77 step %while3A_78 iter_args(%while3A_99 = %while3A_71) -> (i32)  : i32 {
      %mul3A_100 = arith.constant 3200 : i32
      %mul3A_101 = arith.muli %while3A_98, %mul3A_100 : i32
      %add3A_102 = arith.addi %get3A_43, %mul3A_101 : i32
      %add3A_103 = arith.constant 3200 : i32
      %add3A_104 = arith.addi %add3A_102, %add3A_103 : i32
      %min3A = arith.minsi %add3A_104, %get3A_46 : i32
      %and3A_105 = arith.constant -8 : i32
      %and3A_106 = arith.andi %add3A_102, %and3A_105 : i32
      %min3A_107 = arith.constant 96784 : i32
      %min3A_108 = arith.minsi %and3A_106, %min3A_107 : i32
      %multiple_of3A_109 = tpu.assume_multiple %min3A_108, 8 : i32
      %dma_start3A = tpu.memref_slice %arg2[%multiple_of3A_109] : memref<100000xi32, #tpu.memory_space<hbm>> -> memref<3216xi32, #tpu.memory_space<hbm>>
      %dma_start3A_110 = tpu.memref_slice %arg2[%multiple_of3A_109] : memref<100000xi32, #tpu.memory_space<hbm>> -> memref<3216xi32, #tpu.memory_space<hbm>>
      tpu.enqueue_dma source(%dma_start3A_110 : memref<3216xi32, #tpu.memory_space<hbm>>) target(%arg5 : memref<3216xi32, #tpu.memory_space<vmem>>) target_semaphore(%arg14 : memref<!tpu.dma_semaphore, #tpu.memory_space<semaphore_mem>>)
      %dma_start3A_111 = tpu.memref_slice %arg3[%multiple_of3A_109] : memref<100000xi32, #tpu.memory_space<hbm>> -> memref<3216xi32, #tpu.memory_space<hbm>>
      %dma_start3A_112 = tpu.memref_slice %arg3[%multiple_of3A_109] : memref<100000xi32, #tpu.memory_space<hbm>> -> memref<3216xi32, #tpu.memory_space<hbm>>
      tpu.enqueue_dma source(%dma_start3A_112 : memref<3216xi32, #tpu.memory_space<hbm>>) target(%arg6 : memref<3216xi32, #tpu.memory_space<vmem>>) target_semaphore(%arg14 : memref<!tpu.dma_semaphore, #tpu.memory_space<semaphore_mem>>)
      %dma_wait3A = tpu.memref_slice %arg2[%multiple_of3A_109] : memref<100000xi32, #tpu.memory_space<hbm>> -> memref<3216xi32, #tpu.memory_space<hbm>>
      %dma_wait3A_113 = tpu.memref_slice %arg2[%multiple_of3A_109] : memref<100000xi32, #tpu.memory_space<hbm>> -> memref<3216xi32, #tpu.memory_space<hbm>>
      tpu.wait_dma2 semaphore(%arg14 : memref<!tpu.dma_semaphore, #tpu.memory_space<semaphore_mem>>) src(%dma_wait3A_113 : memref<3216xi32, #tpu.memory_space<hbm>>) dst(%arg5 : memref<3216xi32, #tpu.memory_space<vmem>>)
      %dma_wait3A_114 = tpu.memref_slice %arg3[%multiple_of3A_109] : memref<100000xi32, #tpu.memory_space<hbm>> -> memref<3216xi32, #tpu.memory_space<hbm>>
      %dma_wait3A_115 = tpu.memref_slice %arg3[%multiple_of3A_109] : memref<100000xi32, #tpu.memory_space<hbm>> -> memref<3216xi32, #tpu.memory_space<hbm>>
      tpu.wait_dma2 semaphore(%arg14 : memref<!tpu.dma_semaphore, #tpu.memory_space<semaphore_mem>>) src(%dma_wait3A_115 : memref<3216xi32, #tpu.memory_space<hbm>>) dst(%arg6 : memref<3216xi32, #tpu.memory_space<vmem>>)
      %scan3A_116 = arith.constant 0 : i32
      %scan3A_117 = arith.constant 0 : i32
      %scan3A_118 = arith.constant 201 : i32
      %scan3A_119 = arith.addi %scan3A_117, %scan3A_118 : i32
      %scan3A_120 = arith.constant 1 : i32
      %scan3A_121 = scf.for %scan3A_124 = %scan3A_117 to %scan3A_119 step %scan3A_120 iter_args(%scan3A_125 = %scan3A_116) -> (i32)  : i32 {
        %mul3A_126 = arith.constant 16 : i32
        %mul3A_127 = arith.muli %scan3A_124, %mul3A_126 : i32
        %multiple_of3A_128 = tpu.assume_multiple %mul3A_127, 16 : i32
        %get3A_129 = arith.index_cast %multiple_of3A_128 : i32 to index
        %get3A_130 = tpu.vector_load %arg6[%get3A_129] {strides = array<i32>} : memref<3216xi32, #tpu.memory_space<vmem>>, vector<16xi32>,
        %get3A_131 = vector.shape_cast %get3A_130 : vector<16xi32> to vector<16xi32>
        %get3A_132 = arith.index_cast %multiple_of3A_128 : i32 to index
        %get3A_133 = tpu.vector_load %arg5[%get3A_132] {strides = array<i32>} : memref<3216xi32, #tpu.memory_space<vmem>>, vector<16xi32>,
        %get3A_134 = vector.shape_cast %get3A_133 : vector<16xi32> to vector<16xi32>
        %add3A_135 = arith.addi %multiple_of3A_109, %multiple_of3A_128 : i32
        %add3A_136 = vector.broadcast %add3A_135 : i32 to vector<16xi32>
        %add3A_137 = arith.addi %add3A_136, %iota3A : vector<16xi32>
        %ge3A = vector.broadcast %add3A_102 : i32 to vector<16xi32>
        %ge3A_138 = arith.cmpi sge, %add3A_137, %ge3A : vector<16xi32>
        %lt3A_139 = vector.broadcast %min3A : i32 to vector<16xi32>
        %lt3A_140 = arith.cmpi slt, %add3A_137, %lt3A_139 : vector<16xi32>
        %and3A_141 = arith.andi %ge3A_138, %lt3A_140 : vector<16xi1>
        %ge3A_142 = vector.broadcast %add3A : i32 to vector<16xi32>
        %ge3A_143 = arith.cmpi sge, %get3A_131, %ge3A_142 : vector<16xi32>
        %and3A_144 = arith.andi %and3A_141, %ge3A_143 : vector<16xi1>
        %add3A_145 = arith.constant 32 : i32
        %add3A_146 = arith.addi %add3A, %add3A_145 : i32
        %lt3A_147 = vector.broadcast %add3A_146 : i32 to vector<16xi32>
        %lt3A_148 = arith.cmpi slt, %get3A_131, %lt3A_147 : vector<16xi32>
        %and3A_149 = arith.andi %and3A_144, %lt3A_148 : vector<16xi1>
        %mul3A_150 = arith.constant 128 : i32
        %mul3A_151 = vector.broadcast %mul3A_150 : i32 to vector<16xi32>
        %mul3A_152 = arith.muli %get3A_131, %mul3A_151 : vector<16xi32>
        %add3A_153 = arith.addi %mul3A_152, %get3A_134 : vector<16xi32>
        %sub3A_154 = vector.broadcast %mul3A_48 : i32 to vector<16xi32>
        %sub3A_155 = arith.subi %add3A_153, %sub3A_154 : vector<16xi32>
        %jit3A_156 = arith.constant 65536 : i32
        %broadcast_in_dim3A_157 = vector.broadcast %jit3A_156 : i32 to vector<16xi32>
        %select_n3A_158 = arith.select %and3A_149, %sub3A_155, %broadcast_in_dim3A_157 : vector<16xi1>, vector<16xi32>
        %swap3A_159 = arith.index_cast %multiple_of3A_128 : i32 to index
        %swap3A_160 = tpu.vector_load %arg7[%swap3A_159] {strides = array<i32>} : memref<3216xi32, #tpu.memory_space<vmem>>, vector<16xi32>,
        %swap3A_161 = vector.shape_cast %swap3A_160 : vector<16xi32> to vector<16xi32>
        %swap3A_162 = vector.shape_cast %select_n3A_158 : vector<16xi32> to vector<16xi32>
        tpu.vector_store %arg7[%swap3A_159], %swap3A_162 {strides = array<i32>} : memref<3216xi32, #tpu.memory_space<vmem>>, vector<16xi32>,
        %scan3A_163 = arith.constant 0 : i32
        scf.yield %scan3A_163 : i32
      }
      %scan3A_122 = arith.constant 201 : i32
      "tpu.region"() ({
        %run_scoped3A = tpu.sem_alloc : memref<!tpu.dma_semaphore, #tpu.memory_space<semaphore_mem>>
        %dma_start3A_124 = arith.constant 0 : i32
        %dma_start3A_125 = tpu.memref_slice %arg13[%dma_start3A_124] : memref<65920xi32, #tpu.memory_space<vmem_shared>> -> memref<65920xi32, #tpu.memory_space<vmem_shared>>
        tpu.enqueue_indirect_dma source(%arg8 : memref<3216xi32, #tpu.memory_space<vmem>>) target(%dma_start3A_125 : memref<65920xi32, #tpu.memory_space<vmem_shared>>) offsets(%arg7 : memref<3216xi32, #tpu.memory_space<vmem>>) semaphore(%run_scoped3A : memref<!tpu.dma_semaphore, #tpu.memory_space<semaphore_mem>>) {add = true}
        %dma_wait3A_126 = arith.constant 0 : i32
        %dma_wait3A_127 = tpu.memref_slice %arg13[%dma_wait3A_126] : memref<65920xi32, #tpu.memory_space<vmem_shared>> -> memref<65920xi32, #tpu.memory_space<vmem_shared>>
        tpu.wait_indirect_dma semaphore(%run_scoped3A : memref<!tpu.dma_semaphore, #tpu.memory_space<semaphore_mem>>) src(%arg8 : memref<3216xi32, #tpu.memory_space<vmem>>) dst(%dma_wait3A_127 : memref<65920xi32, #tpu.memory_space<vmem_shared>>)
        tpu.yield
      }) : () -> ()
      %while3A_123 = arith.constant 0 : i32
      scf.yield %while3A_123 : i32
    }
    %while3A_80 = arith.constant 1 : i32
    %while3A_81 = scf.for %while3A_98 = %while3A_77 to %while3A_73 step %while3A_80 iter_args(%while3A_99 = %while3A_79) -> (i32)  : i32 {
      %mul3A_100 = arith.constant 3200 : i32
      %mul3A_101 = arith.muli %while3A_98, %mul3A_100 : i32
      %add3A_102 = arith.addi %get3A_43, %mul3A_101 : i32
      %add3A_103 = arith.constant 3200 : i32
      %add3A_104 = arith.addi %add3A_102, %add3A_103 : i32
      %min3A = arith.minsi %add3A_104, %get3A_46 : i32
      %and3A_105 = arith.constant -8 : i32
      %and3A_106 = arith.andi %add3A_102, %and3A_105 : i32
      %min3A_107 = arith.constant 96784 : i32
      %min3A_108 = arith.minsi %and3A_106, %min3A_107 : i32
      %multiple_of3A_109 = tpu.assume_multiple %min3A_108, 8 : i32
      %dma_start3A = tpu.memref_slice %arg2[%multiple_of3A_109] : memref<100000xi32, #tpu.memory_space<hbm>> -> memref<3216xi32, #tpu.memory_space<hbm>>
      %dma_start3A_110 = tpu.memref_slice %arg2[%multiple_of3A_109] : memref<100000xi32, #tpu.memory_space<hbm>> -> memref<3216xi32, #tpu.memory_space<hbm>>
      tpu.enqueue_dma source(%dma_start3A_110 : memref<3216xi32, #tpu.memory_space<hbm>>) target(%arg5 : memref<3216xi32, #tpu.memory_space<vmem>>) target_semaphore(%arg14 : memref<!tpu.dma_semaphore, #tpu.memory_space<semaphore_mem>>)
      %dma_start3A_111 = tpu.memref_slice %arg3[%multiple_of3A_109] : memref<100000xi32, #tpu.memory_space<hbm>> -> memref<3216xi32, #tpu.memory_space<hbm>>
      %dma_start3A_112 = tpu.memref_slice %arg3[%multiple_of3A_109] : memref<100000xi32, #tpu.memory_space<hbm>> -> memref<3216xi32, #tpu.memory_space<hbm>>
      tpu.enqueue_dma source(%dma_start3A_112 : memref<3216xi32, #tpu.memory_space<hbm>>) target(%arg6 : memref<3216xi32, #tpu.memory_space<vmem>>) target_semaphore(%arg14 : memref<!tpu.dma_semaphore, #tpu.memory_space<semaphore_mem>>)
      %dma_wait3A = tpu.memref_slice %arg2[%multiple_of3A_109] : memref<100000xi32, #tpu.memory_space<hbm>> -> memref<3216xi32, #tpu.memory_space<hbm>>
      %dma_wait3A_113 = tpu.memref_slice %arg2[%multiple_of3A_109] : memref<100000xi32, #tpu.memory_space<hbm>> -> memref<3216xi32, #tpu.memory_space<hbm>>
      tpu.wait_dma2 semaphore(%arg14 : memref<!tpu.dma_semaphore, #tpu.memory_space<semaphore_mem>>) src(%dma_wait3A_113 : memref<3216xi32, #tpu.memory_space<hbm>>) dst(%arg5 : memref<3216xi32, #tpu.memory_space<vmem>>)
      %dma_wait3A_114 = tpu.memref_slice %arg3[%multiple_of3A_109] : memref<100000xi32, #tpu.memory_space<hbm>> -> memref<3216xi32, #tpu.memory_space<hbm>>
      %dma_wait3A_115 = tpu.memref_slice %arg3[%multiple_of3A_109] : memref<100000xi32, #tpu.memory_space<hbm>> -> memref<3216xi32, #tpu.memory_space<hbm>>
      tpu.wait_dma2 semaphore(%arg14 : memref<!tpu.dma_semaphore, #tpu.memory_space<semaphore_mem>>) src(%dma_wait3A_115 : memref<3216xi32, #tpu.memory_space<hbm>>) dst(%arg6 : memref<3216xi32, #tpu.memory_space<vmem>>)
      %scan3A_116 = arith.constant 0 : i32
      %scan3A_117 = arith.constant 0 : i32
      %scan3A_118 = arith.constant 201 : i32
      %scan3A_119 = arith.addi %scan3A_117, %scan3A_118 : i32
      %scan3A_120 = arith.constant 1 : i32
      %scan3A_121 = scf.for %scan3A_124 = %scan3A_117 to %scan3A_119 step %scan3A_120 iter_args(%scan3A_125 = %scan3A_116) -> (i32)  : i32 {
        %mul3A_126 = arith.constant 16 : i32
        %mul3A_127 = arith.muli %scan3A_124, %mul3A_126 : i32
        %multiple_of3A_128 = tpu.assume_multiple %mul3A_127, 16 : i32
        %get3A_129 = arith.index_cast %multiple_of3A_128 : i32 to index
        %get3A_130 = tpu.vector_load %arg6[%get3A_129] {strides = array<i32>} : memref<3216xi32, #tpu.memory_space<vmem>>, vector<16xi32>,
        %get3A_131 = vector.shape_cast %get3A_130 : vector<16xi32> to vector<16xi32>
        %get3A_132 = arith.index_cast %multiple_of3A_128 : i32 to index
        %get3A_133 = tpu.vector_load %arg5[%get3A_132] {strides = array<i32>} : memref<3216xi32, #tpu.memory_space<vmem>>, vector<16xi32>,
        %get3A_134 = vector.shape_cast %get3A_133 : vector<16xi32> to vector<16xi32>
        %add3A_135 = arith.addi %multiple_of3A_109, %multiple_of3A_128 : i32
        %add3A_136 = vector.broadcast %add3A_135 : i32 to vector<16xi32>
        %add3A_137 = arith.addi %add3A_136, %iota3A : vector<16xi32>
        %ge3A = vector.broadcast %add3A_102 : i32 to vector<16xi32>
        %ge3A_138 = arith.cmpi sge, %add3A_137, %ge3A : vector<16xi32>
        %lt3A_139 = vector.broadcast %min3A : i32 to vector<16xi32>
        %lt3A_140 = arith.cmpi slt, %add3A_137, %lt3A_139 : vector<16xi32>
        %and3A_141 = arith.andi %ge3A_138, %lt3A_140 : vector<16xi1>
        %ge3A_142 = vector.broadcast %add3A : i32 to vector<16xi32>
        %ge3A_143 = arith.cmpi sge, %get3A_131, %ge3A_142 : vector<16xi32>
        %and3A_144 = arith.andi %and3A_141, %ge3A_143 : vector<16xi1>
        %add3A_145 = arith.constant 32 : i32
        %add3A_146 = arith.addi %add3A, %add3A_145 : i32
        %lt3A_147 = vector.broadcast %add3A_146 : i32 to vector<16xi32>
        %lt3A_148 = arith.cmpi slt, %get3A_131, %lt3A_147 : vector<16xi32>
        %and3A_149 = arith.andi %and3A_144, %lt3A_148 : vector<16xi1>
        %mul3A_150 = arith.constant 128 : i32
        %mul3A_151 = vector.broadcast %mul3A_150 : i32 to vector<16xi32>
        %mul3A_152 = arith.muli %get3A_131, %mul3A_151 : vector<16xi32>
        %add3A_153 = arith.addi %mul3A_152, %get3A_134 : vector<16xi32>
        %sub3A_154 = vector.broadcast %mul3A_48 : i32 to vector<16xi32>
        %sub3A_155 = arith.subi %add3A_153, %sub3A_154 : vector<16xi32>
        %jit3A_156 = arith.constant 65536 : i32
        %broadcast_in_dim3A_157 = vector.broadcast %jit3A_156 : i32 to vector<16xi32>
        %select_n3A_158 = arith.select %and3A_149, %sub3A_155, %broadcast_in_dim3A_157 : vector<16xi1>, vector<16xi32>
        %swap3A_159 = arith.index_cast %multiple_of3A_128 : i32 to index
        %swap3A_160 = tpu.vector_load %arg7[%swap3A_159] {strides = array<i32>} : memref<3216xi32, #tpu.memory_space<vmem>>, vector<16xi32>,
        %swap3A_161 = vector.shape_cast %swap3A_160 : vector<16xi32> to vector<16xi32>
        %swap3A_162 = vector.shape_cast %select_n3A_158 : vector<16xi32> to vector<16xi32>
        tpu.vector_store %arg7[%swap3A_159], %swap3A_162 {strides = array<i32>} : memref<3216xi32, #tpu.memory_space<vmem>>, vector<16xi32>,
        %scan3A_163 = arith.constant 0 : i32
        scf.yield %scan3A_163 : i32
      }
      %scan3A_122 = arith.constant 201 : i32
      "tpu.region"() ({
        %run_scoped3A = tpu.sem_alloc : memref<!tpu.dma_semaphore, #tpu.memory_space<semaphore_mem>>
        %dma_start3A_124 = arith.constant 0 : i32
        %dma_start3A_125 = tpu.memref_slice %arg13[%dma_start3A_124] : memref<65920xi32, #tpu.memory_space<vmem_shared>> -> memref<65920xi32, #tpu.memory_space<vmem_shared>>
        tpu.enqueue_indirect_dma source(%arg8 : memref<3216xi32, #tpu.memory_space<vmem>>) target(%dma_start3A_125 : memref<65920xi32, #tpu.memory_space<vmem_shared>>) offsets(%arg7 : memref<3216xi32, #tpu.memory_space<vmem>>) semaphore(%run_scoped3A : memref<!tpu.dma_semaphore, #tpu.memory_space<semaphore_mem>>) {add = true}
        %dma_wait3A_126 = arith.constant 0 : i32
        %dma_wait3A_127 = tpu.memref_slice %arg13[%dma_wait3A_126] : memref<65920xi32, #tpu.memory_space<vmem_shared>> -> memref<65920xi32, #tpu.memory_space<vmem_shared>>
        tpu.wait_indirect_dma semaphore(%run_scoped3A : memref<!tpu.dma_semaphore, #tpu.memory_space<semaphore_mem>>) src(%arg8 : memref<3216xi32, #tpu.memory_space<vmem>>) dst(%dma_wait3A_127 : memref<65920xi32, #tpu.memory_space<vmem_shared>>)
        tpu.yield
      }) : () -> ()
      %while3A_123 = arith.constant 0 : i32
      scf.yield %while3A_123 : i32
    }
    %broadcast_in_dim3A_82 = arith.constant 65536 : i32
    %broadcast_in_dim3A_83 = vector.broadcast %broadcast_in_dim3A_82 : i32 to vector<16xi32>
    %swap3A_84 = arith.constant 0 : index
    %swap3A_85 = tpu.vector_load %arg12[%swap3A_84] {strides = array<i32>} : memref<16xi32, #tpu.memory_space<vmem>>, vector<16xi32>,
    %swap3A_86 = vector.shape_cast %swap3A_85 : vector<16xi32> to vector<16xi32>
    %swap3A_87 = vector.shape_cast %broadcast_in_dim3A_83 : vector<16xi32> to vector<16xi32>
    tpu.vector_store %arg12[%swap3A_84], %swap3A_87 {strides = array<i32>} : memref<16xi32, #tpu.memory_space<vmem>>, vector<16xi32>,
    "tpu.region"() ({
      %run_scoped3A = tpu.sem_alloc : memref<!tpu.dma_semaphore, #tpu.memory_space<semaphore_mem>>
      %dma_start3A = arith.constant 0 : i32
      %dma_start3A_98 = tpu.memref_slice %arg8[%dma_start3A] : memref<3216xi32, #tpu.memory_space<vmem>> -> memref<16xi32, #tpu.memory_space<vmem>>
      %dma_start3A_99 = arith.constant 0 : i32
      %dma_start3A_100 = tpu.memref_slice %arg13[%dma_start3A_99] : memref<65920xi32, #tpu.memory_space<vmem_shared>> -> memref<65920xi32, #tpu.memory_space<vmem_shared>>
      tpu.enqueue_indirect_dma source(%dma_start3A_98 : memref<16xi32, #tpu.memory_space<vmem>>) target(%dma_start3A_100 : memref<65920xi32, #tpu.memory_space<vmem_shared>>) offsets(%arg12 : memref<16xi32, #tpu.memory_space<vmem>>) semaphore(%run_scoped3A : memref<!tpu.dma_semaphore, #tpu.memory_space<semaphore_mem>>)
      %dma_wait3A = arith.constant 0 : i32
      %dma_wait3A_101 = tpu.memref_slice %arg8[%dma_wait3A] : memref<3216xi32, #tpu.memory_space<vmem>> -> memref<16xi32, #tpu.memory_space<vmem>>
      %dma_wait3A_102 = arith.constant 0 : i32
      %dma_wait3A_103 = tpu.memref_slice %arg13[%dma_wait3A_102] : memref<65920xi32, #tpu.memory_space<vmem_shared>> -> memref<65920xi32, #tpu.memory_space<vmem_shared>>
      tpu.wait_indirect_dma semaphore(%run_scoped3A : memref<!tpu.dma_semaphore, #tpu.memory_space<semaphore_mem>>) src(%dma_wait3A_101 : memref<16xi32, #tpu.memory_space<vmem>>) dst(%dma_wait3A_103 : memref<65920xi32, #tpu.memory_space<vmem_shared>>)
      tpu.yield
    }) : () -> ()
    %barrier3A_88 = arith.constant 0 : index
    tpu.barrier barrier_id(%barrier3A_88)
    %mul3A_89 = arith.constant 4096 : i32
    %mul3A_90 = arith.muli %arg1, %mul3A_89 : i32
    %multiple_of3A_91 = tpu.assume_multiple %mul3A_90, 8 : i32
    %mul3A_92 = arith.constant 128 : i32
    %mul3A_93 = arith.muli %add3A, %mul3A_92 : i32
    %multiple_of3A_94 = tpu.assume_multiple %mul3A_93, 8 : i32
    "tpu.region"() ({
      %run_scoped3A = tpu.sem_alloc : memref<!tpu.dma_semaphore, #tpu.memory_space<semaphore_mem>>
      %dma_start3A = tpu.memref_slice %arg4[%multiple_of3A_94] : memref<131072xi32, #tpu.memory_space<hbm>> -> memref<4096xi32, #tpu.memory_space<hbm>>
      %dma_start3A_98 = tpu.memref_slice %arg13[%multiple_of3A_91] : memref<65920xi32, #tpu.memory_space<vmem_shared>> -> memref<4096xi32, #tpu.memory_space<vmem_shared>>
      tpu.enqueue_dma source(%dma_start3A_98 : memref<4096xi32, #tpu.memory_space<vmem_shared>>) target(%dma_start3A : memref<4096xi32, #tpu.memory_space<hbm>>) target_semaphore(%run_scoped3A : memref<!tpu.dma_semaphore, #tpu.memory_space<semaphore_mem>>)
      %dma_wait3A = tpu.memref_slice %arg4[%multiple_of3A_94] : memref<131072xi32, #tpu.memory_space<hbm>> -> memref<4096xi32, #tpu.memory_space<hbm>>
      %dma_wait3A_99 = tpu.memref_slice %arg13[%multiple_of3A_91] : memref<65920xi32, #tpu.memory_space<vmem_shared>> -> memref<4096xi32, #tpu.memory_space<vmem_shared>>
      tpu.wait_dma2 semaphore(%run_scoped3A : memref<!tpu.dma_semaphore, #tpu.memory_space<semaphore_mem>>) src(%dma_wait3A_99 : memref<4096xi32, #tpu.memory_space<vmem_shared>>) dst(%dma_wait3A : memref<4096xi32, #tpu.memory_space<hbm>>)
      tpu.yield
    }) : () -> ()
    %mul3A_95 = arith.constant 128 : i32
    %mul3A_96 = arith.muli %add3A, %mul3A_95 : i32
    %multiple_of3A_97 = tpu.assume_multiple %mul3A_96, 8 : i32
    "tpu.region"() ({
      %run_scoped3A = tpu.sem_alloc : memref<!tpu.dma_semaphore, #tpu.memory_space<semaphore_mem>>
      %dma_start3A = tpu.memref_slice %arg4[%multiple_of3A_97] : memref<131072xi32, #tpu.memory_space<hbm>> -> memref<4096xi32, #tpu.memory_space<hbm>>
      %dma_start3A_98 = tpu.memref_slice %arg4[%multiple_of3A_97] : memref<131072xi32, #tpu.memory_space<hbm>> -> memref<4096xi32, #tpu.memory_space<hbm>>
      tpu.enqueue_dma source(%dma_start3A_98 : memref<4096xi32, #tpu.memory_space<hbm>>) target(%arg9 : memref<4096xi32, #tpu.memory_space<vmem>>) target_semaphore(%run_scoped3A : memref<!tpu.dma_semaphore, #tpu.memory_space<semaphore_mem>>)
      %dma_wait3A = tpu.memref_slice %arg4[%multiple_of3A_97] : memref<131072xi32, #tpu.memory_space<hbm>> -> memref<4096xi32, #tpu.memory_space<hbm>>
      %dma_wait3A_99 = tpu.memref_slice %arg4[%multiple_of3A_97] : memref<131072xi32, #tpu.memory_space<hbm>> -> memref<4096xi32, #tpu.memory_space<hbm>>
      tpu.wait_dma2 semaphore(%run_scoped3A : memref<!tpu.dma_semaphore, #tpu.memory_space<semaphore_mem>>) src(%dma_wait3A_99 : memref<4096xi32, #tpu.memory_space<hbm>>) dst(%arg9 : memref<4096xi32, #tpu.memory_space<vmem>>)
      tpu.yield
    }) : () -> ()
    return
  }
}

module attributes {stable_mosaic.version = 14 : i64} {
  func.func @_mlp_body(%arg0: memref<131072xi32, #tpu.memory_space<vmem>>, %arg1: memref<128x128xf32, #tpu.memory_space<vmem>>, %arg2: memref<128xf32, #tpu.memory_space<vmem>>, %arg3: memref<128x1xf32, #tpu.memory_space<vmem>>, %arg4: memref<1xf32, #tpu.memory_space<vmem>>, %arg5: memref<1024x1xf32, #tpu.memory_space<vmem>>) attributes {dimension_semantics = [], scalar_prefetch = 0 : i64, scratch_operands = 0 : i64, tpu.core_type = #tpu.core_type<tc>} {
    %get3A = arith.constant 0 : index
    %get3A_0 = vector.load %arg0[%get3A] : memref<131072xi32, #tpu.memory_space<vmem>>, vector<131072xi32>
    %reshape3A = vector.shape_cast %get3A_0 : vector<131072xi32> to vector<1024x128xi32>
    %convert_element_type3A = arith.sitofp %reshape3A : vector<1024x128xi32> to vector<1024x128xf32>
    %reduce_sum3A = arith.constant dense<0.000000e+00> : vector<1024xf32>
    %reduce_sum3A_1 = vector.multi_reduction <add>, %convert_element_type3A, %reduce_sum3A [1] : vector<1024x128xf32> to vector<1024xf32>
    %broadcast_in_dim3A = vector.shape_cast %reduce_sum3A_1 : vector<1024xf32> to vector<1024x1xf32>
    %max3A = arith.constant 1.000000e+00 : f32
    %max3A_2 = vector.broadcast %max3A : f32 to vector<1024x1xf32>
    %max3A_3 = arith.maximumf %broadcast_in_dim3A, %max3A_2 : vector<1024x1xf32>
    %div3A = vector.broadcast %max3A_3 : vector<1024x1xf32> to vector<1024x128xf32>
    %div3A_4 = arith.divf %convert_element_type3A, %div3A : vector<1024x128xf32>
    %get3A_5 = arith.constant 0 : index
    %get3A_6 = arith.constant 0 : index
    %get3A_7 = vector.load %arg1[%get3A_5, %get3A_6] : memref<128x128xf32, #tpu.memory_space<vmem>>, vector<128x128xf32>
    %dot_general3A = arith.constant dense<0.000000e+00> : vector<1024x128xf32>
    %dot_general3A_8 = tpu.matmul %div3A_4, %get3A_7, %dot_general3A {dimension_numbers = #tpu.dot_dimension_numbers<[1], [0], [0], [1], [0, 0, 1, 1], [], []>, transpose_lhs_hint = false} : vector<1024x128xf32>, vector<128x128xf32>, vector<1024x128xf32> -> vector<1024x128xf32>
    %get3A_9 = arith.constant 0 : index
    %get3A_10 = vector.load %arg2[%get3A_9] : memref<128xf32, #tpu.memory_space<vmem>>, vector<128xf32>
    %broadcast_in_dim3A_11 = vector.shape_cast %get3A_10 : vector<128xf32> to vector<1x128xf32>
    %add3A = vector.broadcast %broadcast_in_dim3A_11 : vector<1x128xf32> to vector<1024x128xf32>
    %add3A_12 = arith.addf %dot_general3A_8, %add3A : vector<1024x128xf32>
    %max3A_13 = arith.constant 0.000000e+00 : f32
    %max3A_14 = vector.broadcast %max3A_13 : f32 to vector<1024x128xf32>
    %max3A_15 = arith.maximumf %add3A_12, %max3A_14 : vector<1024x128xf32>
    %get3A_16 = arith.constant 0 : index
    %get3A_17 = arith.constant 0 : index
    %get3A_18 = vector.load %arg3[%get3A_16, %get3A_17] : memref<128x1xf32, #tpu.memory_space<vmem>>, vector<128x1xf32>
    %dot_general3A_19 = arith.constant dense<0.000000e+00> : vector<1024x1xf32>
    %dot_general3A_20 = tpu.matmul %max3A_15, %get3A_18, %dot_general3A_19 {dimension_numbers = #tpu.dot_dimension_numbers<[1], [0], [0], [1], [0, 0, 1, 1], [], []>, transpose_lhs_hint = false} : vector<1024x128xf32>, vector<128x1xf32>, vector<1024x1xf32> -> vector<1024x1xf32>
    %get3A_21 = arith.constant 0 : index
    %get3A_22 = vector.load %arg4[%get3A_21] : memref<1xf32, #tpu.memory_space<vmem>>, vector<1xf32>
    %broadcast_in_dim3A_23 = vector.shape_cast %get3A_22 : vector<1xf32> to vector<1x1xf32>
    %add3A_24 = vector.broadcast %broadcast_in_dim3A_23 : vector<1x1xf32> to vector<1024x1xf32>
    %add3A_25 = arith.addf %dot_general3A_20, %add3A_24 : vector<1024x1xf32>
    %swap3A = arith.constant 0 : index
    %swap3A_26 = arith.constant 0 : index
    %swap3A_27 = vector.load %arg5[%swap3A, %swap3A_26] : memref<1024x1xf32, #tpu.memory_space<vmem>>, vector<1024x1xf32>
    tpu.vector_store %arg5[%swap3A, %swap3A_26], %add3A_25 {strides = array<i32>} : memref<1024x1xf32, #tpu.memory_space<vmem>>, vector<1024x1xf32>,
    return
  }
}

</mosaic_0001>

<sc_bundles>
// kernel: kernel.4.cloned.1.call-start
scs
__scs_entry_jumppad:
0x0: {  	(pc) =	sbr.rel $0x88, $3  }
0x1: {  	(tag) =	ssettag $0x0;
	lr =	simm.s32 $0x1  }
0x2: {  	[smem:$0x3F9B] =	sst lr;
	_ =	strace $0xD0000000  }
0x3: {  	_ = 	snop  }
0x4: {  	_ = 	snop  }
0x5: {  	_ = 	snop  }
0x6: {  	_ = 	snop  }
0x7: {  	_ = 	snop  }
__scs_overlays_trampoline_lowered:
0x8: {  	[smem:$0x3FAA] =	sst s0  }
0x9: {  	[smem:$0x3FAB] =	sst s1  }
0xa: {  	[smem:$0x3FAC] =	sst s2  }
0xb: {  	[smem:$0x3FAD] =	sst s3  }
0xc: {  	[smem:$0x3FAE] =	sst s4  }
0xd: {  	[smem:$0x3FAF] =	sst s5  }
0xe: {  	[smem:$0x3FB0] =	sst s6  }
0xf: {  	[smem:$0x3FB1] =	sst s7  }
0x10: {  	[smem:$0x3FB2] =	sst s8  }
0x11: {  	[smem:$0x3FB3] =	sst s9;
	s0 =	simm.s32 @!p0 $0x0  }
0x12: {  	s1 =	sld [smem:$0x3F99];
	s0 =	simm.s32 @p0 $0x1  }
0x13: {  	[smem:$0x3FB4] =	sst s0;
	s0 =	simm.s32 @!p1 $0x0  }
0x14: {  	s2 =	sld [smem:$0x3F98];
	s0 =	simm.s32 @p1 $0x1  }
0x15: {  	[smem:$0x3FB5] =	sst s0;
	s0 =	simm.s32 @!p2 $0x0  }
0x16: {  	s3 =	sld [smem:$0x3FDB];
	s0 =	simm.s32 @p2 $0x1  }
0x17: {  	s4 =	simm.s32 $0x1BF5;
	[smem:$0x3FB7] =	sst s0  }
0x18: {  	s0 =	sld [smem:$0x3F9A];
	_ =	swait.ge [sflag:s4], $0x0  }
0x19: {  	s7 =	sld [smem:$0x3F9B]  }
0x1a: {  	s8 =	sadd.s32 $0xFFFFE003, lr  }
0x1b: {  	s9 =	sadd.s32 $0xFFFFFEF7, lr;
	s5 =	simm.s32 $0xFFFFFFFF;
	p2 =	slt.u32 s8, $0xFFFFF086  }
0x1c: {  	p1 =	slt.u32 s9, $0xF7A;
	s5 =	simm.s32 @!p2 $0x0  }
0x1d: {  	s5 =	simm.s32 @p1 $0x1;
	p0 =	seq.s32 s7, s2  }
0x1e: {  	s7 =	smul.u32 @!p0 $0xF7A, s2;
	p2 =	seq.s32 @!p0 s5, $0x0  }
0x1f: {  	s9 =	smul.u32 $0xF7A, s1;
	s8 =	simm.s32 @!p0 $0x1BF5;
	p2 =	por !p2, p0  }
0x20: {  	[sflag:s8] =	ssyncset.s32 @!p0 $0xFFFFF086;
	s6 =	sadd.s32 @!p0 s3, s7;
	s7 =	simm.s32 @!p0 $0x108  }
0x21: {  	s3 =	sadd.s32 s3, s9;
	s6 =	sadd.s32 @!p0 $0x88, s6;
	s7 =	simm.s32 @p2 $0x1082  }
0x22: {  	[simem:s7], [sflag:s8] =	dma.local @!p0 [hbm:s6], $0xF7A  }
0x23: {  	s9 =	sor.u32 $0xD0000000, s2;
	s6 =	simm.s32 $0x108;
	_ =	swait.ge @!p0 [sflag:s8], $0x0  }
0x24: {  	s3 =	sadd.s32 $0x88, s3;
	s6 =	simm.s32 @!p1 $0x1082;
	[sflag:s4] =	ssyncset.s32 $0xFFFFF086  }
0x25: {  	[simem:s6], [sflag:s4] =	dma.local [hbm:s3], $0xF7A  }
0x26: {  	[smem:$0x3F9B] =	sst s1;
	(tag) =	ssettag s2;
	_ =	strace s9  }
0x27: {  	s1 =	sld [smem:$0x3FAB]  }
0x28: {  	s2 =	sld [smem:$0x3FAC]  }
0x29: {  	s4 =	sld [smem:$0x3FAE]  }
0x2a: {  	p0 =	seq.s32 s5, $0x0;
	s5 =	sld [smem:$0x3FAF]  }
0x2b: {  	s6 =	sld [smem:$0x3FB0]  }
0x2c: {  	s7 =	sld [smem:$0x3FB1]  }
0x2d: {  	s3 =	simm.s32 $0x108;
	s8 =	sld [smem:$0x3FB2]  }
0x2e: {  	s3 =	simm.s32 @!p0 $0x1082;
	s9 =	sld [smem:$0x3FB3]  }
0x2f: {  	lr =	sadd.s32 s0, s3;
	s0 =	sld [smem:$0x3FAA]  }
0x30: {  	s3 =	sld [smem:$0x3FAD]  }
0x31: {  	[smem:$0x3FB6] =	sst s10  }
0x32: {  	s10 =	sld [smem:$0x3FB4];
	_ =	sdelay $0x3  }
0x33: {  	p0 =	seq.s32 s10, $0x1;
	s10 =	sld [smem:$0x3FB6];
	_ =	sdelay $0x3  }
0x34: {  	[smem:$0x3FB6] =	sst s10  }
0x35: {  	s10 =	sld [smem:$0x3FB5];
	_ =	sdelay $0x3  }
0x36: {  	p1 =	seq.s32 s10, $0x1;
	s10 =	sld [smem:$0x3FB6];
	_ =	sdelay $0x3  }
0x37: {  	[smem:$0x3FB6] =	sst s10  }
0x38: {  	s10 =	sld [smem:$0x3FB7]  }
0x39: {  	_ = 	snop;
	(pc) =	sbr.ind lr, $3  }
0x3a: {  	_ = 	snop  }
0x3b: {  	_ = 	snop  }
0x3c: {  	p2 =	seq.s32 s10, $0x1;
	s10 =	sld [smem:$0x3FB6]  }
0x3d: {  	_ =	shalt  }
0x3e: {  	_ =	shalt  }
0x3f: {  	_ =	shalt  }
0x40: {  	_ =	shalt  }
0x41: {  	_ =	shalt  }
0x42: {  	_ =	shalt  }
0x43: {  	_ =	shalt  }
0x44: {  	_ =	shalt  }
0x45: {  	_ =	shalt  }
0x46: {  	_ =	shalt  }
0x47: {  	_ =	shalt  }
0x48: {  	_ =	shalt  }
0x49: {  	_ =	shalt  }
0x4a: {  	_ =	shalt  }
0x4b: {  	_ =	shalt  }
0x4c: {  	_ =	shalt  }
0x4d: {  	_ =	shalt  }
0x4e: {  	_ =	shalt  }
0x4f: {  	_ =	shalt  }
0x50: {  	_ =	shalt  }
0x51: {  	_ =	shalt  }
0x52: {  	_ =	shalt  }
0x53: {  	_ =	shalt  }
0x54: {  	_ =	shalt  }
0x55: {  	_ =	shalt  }
0x56: {  	_ =	shalt  }
0x57: {  	_ =	shalt  }
0x58: {  	_ =	shalt  }
0x59: {  	_ =	shalt  }
0x5a: {  	_ =	shalt  }
0x5b: {  	_ =	shalt  }
0x5c: {  	_ =	shalt  }
0x5d: {  	_ =	shalt  }
0x5e: {  	_ =	shalt  }
0x5f: {  	_ =	shalt  }
0x60: {  	_ =	shalt  }
0x61: {  	_ =	shalt  }
0x62: {  	_ =	shalt  }
0x63: {  	_ =	shalt  }
0x64: {  	_ =	shalt  }
0x65: {  	_ =	shalt  }
0x66: {  	_ =	shalt  }
0x67: {  	_ =	shalt  }
0x68: {  	_ =	shalt  }
0x69: {  	_ =	shalt  }
0x6a: {  	_ =	shalt  }
0x6b: {  	_ =	shalt  }
0x6c: {  	_ =	shalt  }
0x6d: {  	_ =	shalt  }
0x6e: {  	_ =	shalt  }
0x6f: {  	_ =	shalt  }
0x70: {  	_ =	shalt  }
0x71: {  	_ =	shalt  }
0x72: {  	_ =	shalt  }
0x73: {  	_ =	shalt  }
0x74: {  	_ =	shalt  }
0x75: {  	_ =	shalt  }
0x76: {  	_ =	shalt  }
0x77: {  	_ =	shalt  }
0x78: {  	_ =	shalt  }
0x79: {  	_ =	shalt  }
0x7a: {  	_ =	shalt  }
0x7b: {  	_ =	shalt  }
0x7c: {  	_ =	shalt  }
0x7d: {  	_ =	shalt  }
0x7e: {  	_ =	shalt  }
0x7f: {  	_ =	shalt  }
0x80: {  	_ =	shalt  }
0x81: {  	_ =	shalt  }
0x82: {  	_ =	shalt  }
0x83: {  	_ =	shalt  }
0x84: {  	_ =	shalt  }
0x85: {  	_ =	shalt  }
0x86: {  	_ =	shalt  }
0x87: {  	_ =	shalt  }
.Lfunc_end0:
.L_simem_size_0:
called_computation_lowered:
.L_overlay_start_0:
0x88: {  	s2 =	sld [smem:$0x3FD9]  }
0x89: {  	s3 =	sld [smem:$0x3FFE];
	_ =	sdelay $0x1  }
0x8a: {  	s1 =	srdreg.scid  }
0x8b: {  	s0 =	sand.u32 $0x1, s1  }
0x8c: {  	s17 =	sshll.u32 s0, $0xA;
	s2 =	sadd.s32 s3, s2  }
0x8d: {  	s2 =	sadd.s32 s2, s17  }
0x8e: {  	[smem:$0x3FC2] =	sst s2  }
0x8f: {  	_ = 	snop  }
0x90: {  	s2 =	sld [smem:$0x3FC9]  }
0x91: {  	s18 =	sld [smem:$0x3FC8];
	(tm) =	ssettm $0x1  }
0x92: {  	s4 =	sld [smem:$0x3FFB];
	_ =	sdelay $0x3  }
0x93: {  	_ =	strace s4  }
0x94: {  	s4 =	sld [smem:$0x3FFC];
	_ =	sdelay $0x3  }
0x95: {  	_ =	strace s4  }
0x96: {  	s4 =	sld [smem:$0x3FFD];
	_ =	sdelay $0x3  }
0x97: {  	_ =	strace s4  }
0x98: {  	_ =	strace $0x8FFFFFFF  }
0x99: {  	s19 =	sld [smem:$0x3FDB];
	_ =	sdelay $0x1  }
0x9a: {  	s5 =	simm.s32 $_scs_section_size  }
0x9b: {  	s6 =	simm.s32 $_size__tile_overlayer_lowered;
	s7 =	simm.s32 $_tile_overlayer_lowered  }
0x9c: {  	s22 =	simm.s32 $0x1BFF;
	s21 =	sshll.u32 s7, $0x1;
	s4 =	sadd.s32 s5, s19  }
0x9d: {  	s8 =	simm.s32 $0x0;
	s20 =	sshll.u32 s6, $0x1;
	s6 =	sadd.s32 s21, s4  }
0x9e: {  	[timem:s8], [sflag:s22] =	dma.local [hbm:s6], s20  }
0x9f: {  	_ =	swait.ge [sflag:s22], s20  }
0xa0: {  	s5 =	ssub.s32 $0x0, s20;
	[sflag:s22] =	ssyncset.done $0x0  }
0xa1: {  	[sflag:s22] =	ssyncadd.s32 s5;
	_ =	sdelay $0x1  }
0xa2: {  	s23 =	simm.s32 $0x1B8B  }
0xa3: {  	_ =	swait.ge [sflag:s23], $0x1  }
0xa4: {  	[sflag:s23] =	ssyncset.done $0x0  }
0xa5: {  	s25 =	simm.s32 $0x1B8E;
	s24 =	sld [smem:$0x3FFE];
	[sflag:s23] =	ssyncadd.s32 $0xFFFFFFFF  }
0xa6: {  	s26 =	simm.s32 $execute0_lowered;
	[smem:$0x3FD2] =	sst s25  }
0xa7: {  	s6 =	sshll.u32 s26, $0x1;
	_ =	strace $0x80000046;
	[dreg:$0x1] =	wrdreg $0xFFFFFFFF  }
0xa8: {  	s28 =	simm.s32 $_size_execute0_lowered;
	s4 =	sadd.s32 s4, s6;
	[dreg:$0x0] =	wrdreg $0x0  }
0xa9: {  	s6 =	sshll.u32 s28, $0x1;
	[dreg:$0x2] =	wrdreg s4  }
0xaa: {  	[dreg:$0x3] =	wrdreg s6  }
0xab: {  	[dreg:$0x4] =	wrdreg $0xC0  }
0xac: {  	_ =	task [dreg:s8], $0x5FFFF  }
0xad: {  	[dreg:$0x1] =	wrdreg $0xFFFFFFFF  }
0xae: {  	[dreg:$0x0] =	wrdreg $0x60  }
0xaf: {  	[dreg:$0x2] =	wrdreg s2  }
0xb0: {  	[dreg:$0x3] =	wrdreg s18  }
0xb1: {  	[dreg:$0x4] =	wrdreg s24  }
0xb2: {  	[dreg:$0x5] =	wrdreg $0x45000  }
0xb3: {  	[dreg:$0x6] =	wrdreg $0x9  }
0xb4: {  	_ =	task.clear_ibuf [dreg:s8], $0x7FFFF;
	_ =	strace $0x90000046  }
0xb5: {  	s29 =	simm.s32 $0x9;
	_ =	strace $0x80000048  }
0xb6: {  	_ =	swait.ge [sflag:s29], $0x1  }
0xb7: {  	[sflag:s29] =	ssyncadd.s32 $0xFFFFFFFF  }
0xb8: {  	_ =	strace $0x90000048  }
0xb9: {  	_ =	sfence  }
0xba: {  	s30 =	sld [smem:$0x0];
	_ =	sdelay $0x2  }
0xbb: {  	s31 =	sshll.u32 s1, $0xD;
	s1 =	sshrl.u32 s1, $0x2  }
0xbc: {  	s3 =	sand.u32 $0x4000, s31;
	s1 =	sadd.s32 s1, s30  }
0xbd: {  	s0 =	sor.u32 s3, s0;
	s1 =	sshll.u32 s1, $0x11  }
0xbe: {  	s0 =	sor.u32 s1, s0  }
0xbf: {  	s0 =	sadd.s32 $0x8F2B, s0  }
0xc0: {  	[sflag:s0] =	ssyncadd.remote.s32 $0x1  }
0xc1: {  	_ =	sfence.sel $0xFFFF  }
0xc2: {  	[dreg:$0x0] =	wrdreg $0xFFFFFFFF;
	(pc) =	sbr.abs _section_cstart, $3  }
0xc3: {  	[dreg:$0x1] =	wrdreg $0xFFFFFFFF  }
0xc4: {  	_ =	task.clear_ibuf [dreg:s8], $0x2FFFF;
	_ =	strace $0x9FFFFFFF  }
0xc5: {  	(tm) =	ssettm $0x7FFFFFFF  }
tec
execute0_lowered:
.L_overlay_start_1:
0x0: {  	(tag) =	ssettag $0x1  }
0x1: {  	s1 =	rddreg [dreg:$0x0]  }
0x2: {  	s2 =	rddreg [dreg:$0x1]  }
0x3: {  	s6 =	rddreg [dreg:$0x2]  }
0x4: {  	s4 =	rddreg [dreg:$0x3]  }
0x5: {  	s5 =	srdreg.scid;
	s3 =	stileid.u32;
	s14 =	simm.s32 $0xD00  }
0x6: {  	s16 =	simm.s32 $0x1A00;
	s17 =	simm.s32 $0x2700;
	s18 =	simm.s32 $0x10  }
0x7: {  	s19 =	simm.s32 $0x4480;
	s20 =	simm.s32 $0x0;
	s7 =	sand.u32 $0x1, s5  }
0x8: {  	s5 =	simm.s32 $0x0;
	s9 =	sshll.u32 s3, $0x5;
	s10 =	sshll.u32 s3, $0xC  }
0x9: {  	s31 =	sshll.u32 s3, $0x4;
	s8 =	sshll.u32 s7, $0x9;
	[smem:$0x7FF] =	sst s5  }
0xa: {  	s29 =	ssub.s32 $0x2, s7;
	s13 =	sshll.u32 s7, $0x10;
	s12 =	sor.u32 s9, s8  }
0xb: {  	_ =	strace $0x80000047;
	s30 =	sshrl.u32 s29, $0x1;
	s15 =	ssub.s32 $0x0, s13  }
.Ltmp0:
0xc: {  	s13 =	simm.s32 $0x1;
	s8 =	sshll.u32 s12, $0x4;
	(pc) =	sbr.rel .LBB2_1-.Ltmp0, $4  }
0xd: {  	s9 =	ssub.s32 s29, s30;
	s11 =	sadd.s32 $0x20, s12;
	v3 =	vmov s15;
	s15 =	simm.s32 $0xC90  }
0xe: {  	vm0 =	vmmov $0x1;
	v4 =	vimm.s32 $0x1;
	v5 =	vimm.s32 $0x0;
	s8 =	sadd.s32 s8, s6;
	s6 =	sadd.s32 s10, s4;
	s10 =	sadd.s32 s31, s4  }
0xf: {  	v6 =	vlaneseq.u32;
	v7 =	vimm.s32 $0x10000;
	v0 =	vmov s11;
	s9 =	smax.u32 s9, $0x1;
	s11 =	simm.s32 $0x2;
	s7 =	sadd.s32 $0x10080, s10  }
0x10: {  	v1 =	vmov s12;
	s8 =	sadd.s32 $0x800, s8;
	s10 =	simm.s32 $0x3400;
	v2 =	vsel vm0, s12, v0;
	s12 =	simm.s32 $0x4400;
	vm0 =	vmmov $0xffff  }
.LBB2_11:
0x11: {  	[tilespmem:$0x4480] =	vst v7  }
0x12: {  	[spmem:s4] =	stream.indirect.scatter [tilespmem:s17], [sflag:$0x2], $0x1, s19, s18, $0xb8;
	[tilespmem:$0x5518] =	vst v63  }
0x13: {  	_ =	swait.ge [sflag:s11], $0x10  }
0x14: {  	[sflag:s11] =	ssyncset.done $0x0  }
0x15: {  	s0 =	sshll.u32 s3, $0x6;
	[sflag:s11] =	ssyncadd.s32 $0xFFFFFFF0  }
0x16: {  	s21 =	sshrl.u32 s6, $0x3;
	s0 =	sor.u32 $0x1C02, s0;
	[bflag:$0x0] =	sbarrier.arrive $0xFFFF  }
0x17: {  	[hbm:s8], [sflag:s0] =	dma.local [spmem:s21], $0x200  }
0x18: {  	s20 =	sadd.s32 $0x1, s20;
	_ =	swait.ge [sflag:s11], $0x200  }
0x19: {  	p0 =	sne.s32 s20, s9;
	[sflag:s11] =	ssyncset.done $0x0  }
.Ltmp1:
0x1a: {  	[sflag:s11] =	ssyncadd.s32 $0xFFFFFE00;
	(pc) =	sbr.rel @!p0 .LBB2_12-.Ltmp1, $4  }
0x1b: {  	[tilespmem:s10], [sflag:$0x2] =	stream.linear.gather [hbm4b:s8+s5], $0x1000, $0x38;
	[tilespmem:$0x5518] =	vst v63  }
0x1c: {  	_ =	swait.ge [sflag:s11], $0x1000  }
0x1d: {  	[sflag:s11] =	ssyncset.done $0x0  }
0x1e: {  	[sflag:s11] =	ssyncadd.s32 $0xFFFFF000  }
.LBB2_1:
0x1f: {  	s21 =	simm.s32 $0x0  }
.LBB2_2:
0x20: {  	p0 =	sne.s32 s21, $0x3200  }
.Ltmp2:
0x21: {  	_ = 	snop;
	(pc) =	sbr.rel @p0 .LBB2_2-.Ltmp2, $3  }
0x22: {  	_ =	sdelay $0x1  }
0x23: {  	s22 =	sshra.s32 s21, $0x2  }
0x24: {  	s21 =	sadd.s32 $0x40, s21;
	[tilespmem:s22+$0x2700] =	vst v4  }
0x25: {  	s21 =	simm.s32 $0x40;
	s22 =	simm.s32 $0x0  }
.LBB2_4:
0x26: {  	p0 =	sne.s32 s21, $0x3FC0;
	[tilespmem:s22+$0x3400] =	vst v5;
	s22 =	smov.u32 s21;
	s21 =	sadd.s32 $0x40, s21  }
.Ltmp3:
0x27: {  	(pc) =	sbr.rel @p0 .LBB2_4-.Ltmp3, $2  }
0x28: {  	_ =	sdelay $0x2  }
0x29: {  	s22 =	sshra.s32 s22, $0x2  }
0x2a: {  	v8 =	vimm.s32 $0x0;
	v9 =	vimm.s32 $0x186A0  }
0x2b: {  	v10 =	vadd.s32 v8, v9  }
0x2c: {  	v10 =	vshra.s32 v10, $0x1  }
0x2d: {  	vm1 =	vlt.s32 v10, $0x1869F  }
0x2e: {  	[tilespmem:s22+$0x3400] =	vst v5;
	v11 =	vnsel vm1, $0x1869F, v10  }
0x2f: {  	[spmem:s6] =	stream.linear.scatter [tilespmem:s10], [sflag:$0x2], $0x1000, $0x38;
	[tilespmem:$0x5518] =	vst v63  }
0x30: {  	_ =	swait.ge [sflag:s11], $0x1000  }
0x31: {  	[sflag:s11] =	ssyncset.done $0x0  }
0x32: {  	[sflag:s11] =	ssyncadd.s32 $0xFFFFF000  }
0x33: {  	[tilespmem:s12], [sflag:$0x1] =	stream.indirect_vreg.gather [hbm4b:s2+s5], $0x1, v11, vm0, $0xb8;
	[tilespmem:$0x5518] =	vst v63  }
0x34: {  	_ =	swait.ge [sflag:s13], $0x10  }
0x35: {  	[sflag:s13] =	ssyncset.done $0x0  }
0x36: {  	[sflag:s13] =	ssyncadd.s32 $0xFFFFFFF0  }
0x37: {  	v11 =	vld [tilespmem:$0x4400];
	_ =	sdelay $0x4  }
0x38: {  	vm2 =	vlt.s32 v8, v9;
	vm3 =	vge.s32 v11, v2;
	vm1 =	vlt.s32 v11, v2  }
0x39: {  	s21 =	simm.s32 $0x10;
	v11 =	vadd.s32 $0x1, v10;
	vm1 =	vmand vm2, vm1;
	vm2 =	vmand vm2, vm3  }
.LBB2_6:
0x3a: {  	p0 =	sne.s32 s21, $0x1;
	s21 =	sadd.s32 $0xFFFFFFFF, s21;
	v8 =	vsel vm1, v11, v8;
	v9 =	vsel vm2, v10, v9  }
0x3b: {  	v10 =	vadd.s32 v8, v9  }
0x3c: {  	v10 =	vshra.s32 v10, $0x1  }
0x3d: {  	vm1 =	vlt.s32 v10, $0x1869F  }
0x3e: {  	v11 =	vnsel vm1, $0x1869F, v10;
	_ =	sdelay $0x4  }
0x3f: {  	[tilespmem:s12], [sflag:$0x1] =	stream.indirect_vreg.gather [hbm4b:s2+s5], $0x1, v11, vm0, $0xb8;
	[tilespmem:$0x5518] =	vst v63  }
0x40: {  	_ =	swait.ge [sflag:s13], $0x10  }
0x41: {  	[sflag:s13] =	ssyncset.done $0x0  }
0x42: {  	[sflag:s13] =	ssyncadd.s32 $0xFFFFFFF0  }
0x43: {  	v11 =	vld [tilespmem:$0x4400];
	_ =	sdelay $0x1  }
.Ltmp4:
0x44: {  	(pc) =	sbr.rel @p0 .LBB2_6-.Ltmp4, $3  }
0x45: {  	_ =	sdelay $0x1  }
0x46: {  	vm2 =	vlt.s32 v8, v9;
	vm3 =	vge.s32 v11, v2;
	vm1 =	vlt.s32 v11, v2  }
0x47: {  	v11 =	vadd.s32 $0x1, v10;
	vm1 =	vmand vm2, vm1;
	vm2 =	vmand vm2, vm3  }
0x48: {  	v8 =	vsel vm1, v11, v8  }
0x49: {  	[tilespmem:$0x4400] =	vst v8  }
0x4a: {  	[spmem:s7] =	stream.linear.scatter [tilespmem:s12], [sflag:$0x2], $0x10, $0x38;
	[tilespmem:$0x5518] =	vst v63  }
0x4b: {  	_ =	swait.ge [sflag:s11], $0x10  }
0x4c: {  	[sflag:s11] =	ssyncset.done $0x0  }
0x4d: {  	s21 =	simm.s32 $0x0;
	[sflag:s11] =	ssyncadd.s32 $0xFFFFFFF0  }
0x4e: {  	[smem:s21], [sflag:$0x2] =	stream.linear.gather [spmem:s7], $0x10, $0x38;
	[tilespmem:$0x5518] =	vst v63  }
0x4f: {  	_ =	swait.ge [sflag:s11], $0x10  }
0x50: {  	[sflag:s11] =	ssyncset.done $0x0  }
0x51: {  	[sflag:s11] =	ssyncadd.s32 $0xFFFFFFF0  }
0x52: {  	s22 =	sld [smem:$0x0]  }
0x53: {  	s0 =	sld [smem:$0x1];
	_ =	sdelay $0x2  }
0x54: {  	s24 =	ssub.s32 s0, s22  }
0x55: {  	s25 =	sadd.s32 $0xC7F, s24  }
0x56: {  	s26 =	smulhi.u32 $0x51EB851F, s25;
	s28 =	sshra.s32 s25, $0x1F  }
0x57: {  	s28 =	smul.u32 $0x51EB851F, s28;
	_ =	sdelay $0x1  }
0x58: {  	s26 =	sadd.s32 s28, s26  }
0x59: {  	s28 =	sshrl.u32 s26, $0x1F;
	s26 =	sshra.s32 s26, $0xA  }
0x5a: {  	s26 =	sadd.s32 s28, s26  }
0x5b: {  	s28 =	smul.u32 $0xFFFFF380, s26  }
0x5c: {  	s24 =	ssub.s32 $0xFFFFF381, s24  }
0x5d: {  	p0 =	slt.s32 s25, $0x1;
	p1 =	sne.s32 s28, s24  }
0x5e: {  	p0 =	por !p0, !p1  }
0x5f: {  	s24 =	simm.s32 $0x1;
	p0 =	por !p0, !p0  }
0x60: {  	s24 =	simm.s32 @!p0 $0x0  }
0x61: {  	s24 =	ssub.s32 s26, s24  }
0x62: {  	p0 =	slt.s32 s24, $0x1  }
.Ltmp5:
0x63: {  	_ = 	snop;
	(pc) =	sbr.rel @p0 .LBB2_11-.Ltmp5, $3  }
0x64: {  	_ =	sdelay $0x1  }
0x65: {  	[bflag:$0x0] =	sbarrier.arrive $0xFFFF  }
0x66: {  	s25 =	smov.u32 s22;
	s26 =	simm.s32 $0x0  }
.LBB2_8:
0x67: {  	s28 =	smul.u32 $0xC80, s26;
	_ =	sdelay $0x1  }
0x68: {  	s30 =	sadd.s32 s22, s28  }
0x69: {  	s28 =	sand.u32 $0xFFFFFFF8, s30  }
0x6a: {  	p0 =	slt.s32 s28, $0x17A10  }
0x6b: {  	s28 =	simm.s32 @!p0 $0x17A10  }
0x6c: {  	s28 =	sshrl.u32 s28, $0x3  }
0x6d: {  	s29 =	sadd.s32 s1, s28  }
0x6e: {  	[tilespmem:s21], [sflag:$0x1] =	stream.linear.gather [hbm4b:s29+s21], $0xC90, $0x38;
	[tilespmem:$0x5518] =	vst v63  }
0x6f: {  	s28 =	sadd.s32 s2, s28  }
0x70: {  	[tilespmem:s14], [sflag:$0x1] =	stream.linear.gather [hbm4b:s28+s21], $0xC90, $0x38;
	[tilespmem:$0x5518] =	vst v63  }
0x71: {  	_ =	swait.ge [sflag:s13], $0xC90  }
0x72: {  	[sflag:s13] =	ssyncset.done $0x0  }
0x73: {  	[sflag:s13] =	ssyncadd.s32 $0xFFFFF370  }
0x74: {  	_ =	swait.ge [sflag:s13], $0xC90  }
0x75: {  	[sflag:s13] =	ssyncset.done $0x0  }
0x76: {  	s28 =	simm.s32 $0x0;
	[sflag:s13] =	ssyncadd.s32 $0xFFFFF370  }
0x77: {  	v8 =	vld [tilespmem:s28+$0xD00]  }
0x78: {  	s31 =	sadd.s32 $0xC80, s30;
	s29 =	sand.u32 $0xFFFFFFF8, s25  }
0x79: {  	s23 =	smov.u32 s0;
	p1 =	slt.s32 s31, s0;
	p0 =	slt.s32 s29, $0x17A10;
	v9 =	vld [tilespmem:s28+$0x0]  }
0x7a: {  	s23 =	smov.u32 @p1 s31;
	s29 =	simm.s32 @!p0 $0x17A10  }
0x7b: {  	v11 =	vmov s30;
	s30 =	simm.s32 $0x40;
	v10 =	vmov s23;
	v12 =	vadd.s32 s29, v6  }
.LBB2_9:
0x7c: {  	s23 =	sshra.s32 s30, $0x2;
	p0 =	sne.s32 s30, $0x3200;
	s30 =	sadd.s32 $0x40, s30;
	vm1 =	vge.s32 v12, v11;
	vm2 =	vge.s32 v8, v1;
	v13 =	vmov v8  }
.Ltmp6:
0x7d: {  	vm3 =	vlt.s32 v12, v10;
	v8 =	vld [tilespmem:s23+$0xD00];
	vm1 =	vmand vm1, vm2;
	vm2 =	vlt.s32 v13, v0;
	(pc) =	sbr.rel @p0 .LBB2_9-.Ltmp6, $4  }
0x7e: {  	v12 =	vshll.u32 v13, $0x7;
	vm1 =	vmand vm1, vm3;
	v13 =	vadd.s32 v3, v9  }
0x7f: {  	v9 =	vld [tilespmem:s23+$0x0];
	vm1 =	vmand vm2, vm1;
	v12 =	vadd.s32 v12, v13  }
0x80: {  	s29 =	sadd.s32 $0x10, s29;
	v13 =	vnsel vm1, $0x10000, v12  }
0x81: {  	v12 =	vadd.s32 s29, v6;
	[tilespmem:s28+$0x1A00] =	vst v13;
	s28 =	smov.u32 s23  }
0x82: {  	vm1 =	vge.s32 v12, v11;
	vm2 =	vge.s32 v8, v1  }
0x83: {  	vm3 =	vlt.s32 v12, v10;
	vm1 =	vmand vm1, vm2;
	vm2 =	vlt.s32 v8, v0  }
0x84: {  	v8 =	vshll.u32 v8, $0x7;
	vm1 =	vmand vm1, vm3;
	v9 =	vadd.s32 v3, v9  }
0x85: {  	vm1 =	vmand vm2, vm1;
	v8 =	vadd.s32 v8, v9  }
0x86: {  	s26 =	sadd.s32 $0x1, s26;
	v8 =	vnsel vm1, $0x10000, v8  }
0x87: {  	p0 =	sne.s32 s26, s24;
	[tilespmem:s28+$0x1A00] =	vst v8  }
0x88: {  	[spmem:s4] =	stream.indirect.scatter.add.s32 [tilespmem:s17], [sflag:$0x2], $0x1, s16, s15, $0xb8;
	[tilespmem:$0x5518] =	vst v63  }
.Ltmp7:
0x89: {  	_ = 	snop;
	(pc) =	sbr.rel @p0 .LBB2_8-.Ltmp7, $4  }
.Ltmp8:
0x8a: {  	_ = 	snop;
	(pc) =	sbr.rel @!p0 .LBB2_11-.Ltmp8, $4  }
0x8b: {  	_ =	swait.ge [sflag:s11], $0xC90  }
0x8c: {  	[sflag:s11] =	ssyncset.done $0x0  }
0x8d: {  	s25 =	sadd.s32 $0xC80, s25;
	[sflag:s11] =	ssyncadd.s32 $0xFFFFF370  }
0x8e: {  	_ = 	snop  }
.LBB2_12:
0x8f: {  	_ =	sfence.sel $0x180000  }
0x90: {  	[bflag:$0x0] =	sbarrier.arrive $0xFFFF  }
0x91: {  	_ =	strace $0x90000047  }
0x92: {  	[bflag:$0x2] =	sbarrier.arrive $0xFFFF  }
0x93: {  	p0 =	sne.s32 s3, $0x0;
	s0 =	rddreg [dreg:$0x4]  }
0x94: {  	s0 =	sadd.s32 @!p0 $0x100000, s0  }
0x95: {  	[sflag:s0] =	ssyncadd.tile.s32 @!p0 $0x1;
	_ =	shalt  }
.Lfunc_end2:
_tile_overlayer_lowered:
.L_overlay_start_2:
0x96: {  	(tag) =	ssettag $0x2  }
0x97: {  	s0 =	rddreg [dreg:$0x0];
	s2 =	stileid.u32  }
0x98: {  	s1 =	rddreg [dreg:$0x1];
	p0 =	sne.s32 s2, $0x0  }
0x99: {  	s3 =	rddreg [dreg:$0x2];
	[bflag:$0x3] =	sbarrier.arrive $0xFFFF;
	s2 =	simm.s32 @!p0 $0x1C02  }
0x9a: {  	[timem:s3], [sflag:s2] =	dma.local @!p0 [hbm:s0], s1  }
0x9b: {  	s0 =	simm.s32 @!p0 $0x2  }
0x9c: {  	_ =	swait.ge @!p0 [sflag:s0], s1  }
0x9d: {  	s1 =	ssub.s32 @!p0 $0x0, s1;
	[sflag:s0] =	ssyncset.done @!p0 $0x0  }
0x9e: {  	[sflag:s0] =	ssyncadd.s32 @!p0 s1  }
0x9f: {  	[bflag:$0x3] =	sbarrier.arrive $0xFFFF  }
0xa0: {  	_ =	shalt  }

</sc_bundles>
